<compile_context>
chip_gen: v7x
topology: tpu7x:2x2x1
jax: 0.10.2.dev20260603
libtpu: 0.0.44.dev20260713+nightly
codegen_flags: <defaults>
</compile_context>

<pallas_src>
import jax
import jax.numpy as jnp
from jax.experimental import pallas as pl
from jax.experimental.pallas import tpu as pltpu
from jax.experimental.pallas import tpu_sc as plsc

_B = 4
_T = 8192
_D = 1024


def _last_pool_body(x_hbm, leng_hbm, out_hbm, leng_s, sem):
    pltpu.sync_copy(leng_hbm, leng_s)
    copies = []
    for b in range(_B):
        l = leng_s[b]
        t = jnp.where(l < 1, _T - 1, l - 1)
        copies.append(pltpu.async_copy(x_hbm.at[b * _T + t], out_hbm.at[b], sem))
    for c in copies:
        c.wait()


def kernel(x, leng):
    xflat = x.reshape(_B * _T, _D)
    mesh = plsc.ScalarSubcoreMesh(axis_name="c", num_cores=1)
    f = pl.kernel(
        _last_pool_body,
        mesh=mesh,
        out_type=jax.ShapeDtypeStruct((_B, _D), jnp.float32),
        scratch_types=[
            pltpu.SMEM((_B,), jnp.int32),
            pltpu.SemaphoreType.DMA,
        ],
    )
    return f(xflat, leng.astype(jnp.int32))

# --- scband reference (transcript-rebuilt; emitter-appended) ---
"""Pipeline reference for scband-last-pooling-18820546691459 (READ-ONLY COPY).

The authoritative reference and input builder live on the scoring server;
editing this copy changes nothing except your own understanding.
"""

import jax, jax.numpy as jnp
import numpy as np


def setup_inputs(seed: int = 0) -> dict:
    key = jax.random.key(seed)
    k1, k2 = jax.random.split(key)
    x = jax.random.normal(k1, (4, 8192, 1024), dtype=jnp.float32)
    leng = jax.random.randint(k2, (4,), 0, 8192, dtype=jnp.int32)
    return {"x": x, "leng": leng}


def reference(x, leng):
    # LastPooling: select the feature vector at position leng-1 for each batch row
    last_index = leng.astype(jnp.int32) - 1
    ret = x[jnp.arange(x.shape[0]), last_index, :]
    return ret

if __name__ == "__main__":
    import jax
    _d = setup_inputs()
    print(jax.jit(kernel)(*tuple(_d.values())))

</pallas_src>

<mosaic_0001>
#map = affine_map<(d0) -> (0, 0)>
#map1 = affine_map<(d0) -> (0)>
module attributes {stable_mosaic.version = 14 : i64} {
  func.func @_last_pool_body(%arg0: i32, %arg1: memref<32768x1024xf32, #tpu.memory_space<hbm>>, %arg2: memref<4xi32, #tpu.memory_space<hbm>>, %arg3: memref<4x1024xf32, #tpu.memory_space<hbm>>, %arg4: memref<4xi32, #tpu.memory_space<smem>>, %arg5: memref<!tpu.dma_semaphore, #tpu.memory_space<semaphore_mem>>) attributes {dimension_semantics = [#tpu.dimension_semantics<core_parallel>], iteration_bounds = array<i64: 1>, scalar_prefetch = 0 : i64, scratch_operands = 2 : i64, tpu.core_type = #tpu.core_type<sc_scalar_subcore>, window_params = [{transform_indices = #map}, {transform_indices = #map1}, {transform_indices = #map}]} {
    "tpu.region"() ({
      %run_scoped3A = tpu.sem_alloc : memref<!tpu.dma_semaphore, #tpu.memory_space<semaphore_mem>>
      tpu.enqueue_dma source(%arg2 : memref<4xi32, #tpu.memory_space<hbm>>) target(%arg4 : memref<4xi32, #tpu.memory_space<smem>>) target_semaphore(%run_scoped3A : memref<!tpu.dma_semaphore, #tpu.memory_space<semaphore_mem>>)
      tpu.wait_dma2 semaphore(%run_scoped3A : memref<!tpu.dma_semaphore, #tpu.memory_space<semaphore_mem>>) src(%arg2 : memref<4xi32, #tpu.memory_space<hbm>>) dst(%arg4 : memref<4xi32, #tpu.memory_space<smem>>)
      tpu.yield
    }) : () -> ()
    %get3A = arith.constant 0 : i32
    %get3A_0 = arith.index_cast %get3A : i32 to index
    %get3A_1 = memref.load %arg4[%get3A_0] : memref<4xi32, #tpu.memory_space<smem>>
    %lt3A = arith.constant 1 : i32
    %lt3A_2 = arith.cmpi slt, %get3A_1, %lt3A : i32
    %sub3A = arith.constant 1 : i32
    %sub3A_3 = arith.subi %get3A_1, %sub3A : i32
    %jit3A = arith.constant 8191 : i32
    %select_n3A = arith.select %lt3A_2, %jit3A, %sub3A_3 : i32
    %add3A = arith.constant 0 : i32
    %add3A_4 = arith.addi %add3A, %select_n3A : i32
    %dma_start3A = arith.constant 0 : i32
    %dma_start3A_5 = arith.constant 0 : i32
    %dma_start3A_6 = tpu.memref_slice %arg3[%dma_start3A, %dma_start3A_5] : memref<4x1024xf32, #tpu.memory_space<hbm>> -> memref<1x1024xf32, #tpu.memory_space<hbm>>
    %dma_start3A_7 = tpu.memref_squeeze %dma_start3A_6 : memref<1x1024xf32, #tpu.memory_space<hbm>> -> memref<1024xf32, #tpu.memory_space<hbm>>
    %dma_start3A_8 = arith.constant 0 : i32
    %dma_start3A_9 = tpu.memref_slice %arg1[%add3A_4, %dma_start3A_8] : memref<32768x1024xf32, #tpu.memory_space<hbm>> -> memref<1x1024xf32, #tpu.memory_space<hbm>>
    %dma_start3A_10 = tpu.memref_squeeze %dma_start3A_9 : memref<1x1024xf32, #tpu.memory_space<hbm>> -> memref<1024xf32, #tpu.memory_space<hbm>>
    tpu.enqueue_dma source(%dma_start3A_10 : memref<1024xf32, #tpu.memory_space<hbm>>) target(%dma_start3A_7 : memref<1024xf32, #tpu.memory_space<hbm>>) target_semaphore(%arg5 : memref<!tpu.dma_semaphore, #tpu.memory_space<semaphore_mem>>)
    %get3A_11 = arith.constant 1 : i32
    %get3A_12 = arith.index_cast %get3A_11 : i32 to index
    %get3A_13 = memref.load %arg4[%get3A_12] : memref<4xi32, #tpu.memory_space<smem>>
    %lt3A_14 = arith.constant 1 : i32
    %lt3A_15 = arith.cmpi slt, %get3A_13, %lt3A_14 : i32
    %sub3A_16 = arith.constant 1 : i32
    %sub3A_17 = arith.subi %get3A_13, %sub3A_16 : i32
    %jit3A_18 = arith.constant 8191 : i32
    %select_n3A_19 = arith.select %lt3A_15, %jit3A_18, %sub3A_17 : i32
    %add3A_20 = arith.constant 8192 : i32
    %add3A_21 = arith.addi %add3A_20, %select_n3A_19 : i32
    %dma_start3A_22 = arith.constant 1 : i32
    %dma_start3A_23 = arith.constant 0 : i32
    %dma_start3A_24 = tpu.memref_slice %arg3[%dma_start3A_22, %dma_start3A_23] : memref<4x1024xf32, #tpu.memory_space<hbm>> -> memref<1x1024xf32, #tpu.memory_space<hbm>>
    %dma_start3A_25 = tpu.memref_squeeze %dma_start3A_24 : memref<1x1024xf32, #tpu.memory_space<hbm>> -> memref<1024xf32, #tpu.memory_space<hbm>>
    %dma_start3A_26 = arith.constant 0 : i32
    %dma_start3A_27 = tpu.memref_slice %arg1[%add3A_21, %dma_start3A_26] : memref<32768x1024xf32, #tpu.memory_space<hbm>> -> memref<1x1024xf32, #tpu.memory_space<hbm>>
    %dma_start3A_28 = tpu.memref_squeeze %dma_start3A_27 : memref<1x1024xf32, #tpu.memory_space<hbm>> -> memref<1024xf32, #tpu.memory_space<hbm>>
    tpu.enqueue_dma source(%dma_start3A_28 : memref<1024xf32, #tpu.memory_space<hbm>>) target(%dma_start3A_25 : memref<1024xf32, #tpu.memory_space<hbm>>) target_semaphore(%arg5 : memref<!tpu.dma_semaphore, #tpu.memory_space<semaphore_mem>>)
    %get3A_29 = arith.constant 2 : i32
    %get3A_30 = arith.index_cast %get3A_29 : i32 to index
    %get3A_31 = memref.load %arg4[%get3A_30] : memref<4xi32, #tpu.memory_space<smem>>
    %lt3A_32 = arith.constant 1 : i32
    %lt3A_33 = arith.cmpi slt, %get3A_31, %lt3A_32 : i32
    %sub3A_34 = arith.constant 1 : i32
    %sub3A_35 = arith.subi %get3A_31, %sub3A_34 : i32
    %jit3A_36 = arith.constant 8191 : i32
    %select_n3A_37 = arith.select %lt3A_33, %jit3A_36, %sub3A_35 : i32
    %add3A_38 = arith.constant 16384 : i32
    %add3A_39 = arith.addi %add3A_38, %select_n3A_37 : i32
    %dma_start3A_40 = arith.constant 2 : i32
    %dma_start3A_41 = arith.constant 0 : i32
    %dma_start3A_42 = tpu.memref_slice %arg3[%dma_start3A_40, %dma_start3A_41] : memref<4x1024xf32, #tpu.memory_space<hbm>> -> memref<1x1024xf32, #tpu.memory_space<hbm>>
    %dma_start3A_43 = tpu.memref_squeeze %dma_start3A_42 : memref<1x1024xf32, #tpu.memory_space<hbm>> -> memref<1024xf32, #tpu.memory_space<hbm>>
    %dma_start3A_44 = arith.constant 0 : i32
    %dma_start3A_45 = tpu.memref_slice %arg1[%add3A_39, %dma_start3A_44] : memref<32768x1024xf32, #tpu.memory_space<hbm>> -> memref<1x1024xf32, #tpu.memory_space<hbm>>
    %dma_start3A_46 = tpu.memref_squeeze %dma_start3A_45 : memref<1x1024xf32, #tpu.memory_space<hbm>> -> memref<1024xf32, #tpu.memory_space<hbm>>
    tpu.enqueue_dma source(%dma_start3A_46 : memref<1024xf32, #tpu.memory_space<hbm>>) target(%dma_start3A_43 : memref<1024xf32, #tpu.memory_space<hbm>>) target_semaphore(%arg5 : memref<!tpu.dma_semaphore, #tpu.memory_space<semaphore_mem>>)
    %get3A_47 = arith.constant 3 : i32
    %get3A_48 = arith.index_cast %get3A_47 : i32 to index
    %get3A_49 = memref.load %arg4[%get3A_48] : memref<4xi32, #tpu.memory_space<smem>>
    %lt3A_50 = arith.constant 1 : i32
    %lt3A_51 = arith.cmpi slt, %get3A_49, %lt3A_50 : i32
    %sub3A_52 = arith.constant 1 : i32
    %sub3A_53 = arith.subi %get3A_49, %sub3A_52 : i32
    %jit3A_54 = arith.constant 8191 : i32
    %select_n3A_55 = arith.select %lt3A_51, %jit3A_54, %sub3A_53 : i32
    %add3A_56 = arith.constant 24576 : i32
    %add3A_57 = arith.addi %add3A_56, %select_n3A_55 : i32
    %dma_start3A_58 = arith.constant 3 : i32
    %dma_start3A_59 = arith.constant 0 : i32
    %dma_start3A_60 = tpu.memref_slice %arg3[%dma_start3A_58, %dma_start3A_59] : memref<4x1024xf32, #tpu.memory_space<hbm>> -> memref<1x1024xf32, #tpu.memory_space<hbm>>
    %dma_start3A_61 = tpu.memref_squeeze %dma_start3A_60 : memref<1x1024xf32, #tpu.memory_space<hbm>> -> memref<1024xf32, #tpu.memory_space<hbm>>
    %dma_start3A_62 = arith.constant 0 : i32
    %dma_start3A_63 = tpu.memref_slice %arg1[%add3A_57, %dma_start3A_62] : memref<32768x1024xf32, #tpu.memory_space<hbm>> -> memref<1x1024xf32, #tpu.memory_space<hbm>>
    %dma_start3A_64 = tpu.memref_squeeze %dma_start3A_63 : memref<1x1024xf32, #tpu.memory_space<hbm>> -> memref<1024xf32, #tpu.memory_space<hbm>>
    tpu.enqueue_dma source(%dma_start3A_64 : memref<1024xf32, #tpu.memory_space<hbm>>) target(%dma_start3A_61 : memref<1024xf32, #tpu.memory_space<hbm>>) target_semaphore(%arg5 : memref<!tpu.dma_semaphore, #tpu.memory_space<semaphore_mem>>)
    %dma_wait3A = arith.constant 0 : i32
    %dma_wait3A_65 = arith.constant 0 : i32
    %dma_wait3A_66 = tpu.memref_slice %arg3[%dma_wait3A, %dma_wait3A_65] : memref<4x1024xf32, #tpu.memory_space<hbm>> -> memref<1x1024xf32, #tpu.memory_space<hbm>>
    %dma_wait3A_67 = tpu.memref_squeeze %dma_wait3A_66 : memref<1x1024xf32, #tpu.memory_space<hbm>> -> memref<1024xf32, #tpu.memory_space<hbm>>
    %dma_wait3A_68 = arith.constant 0 : i32
    %dma_wait3A_69 = tpu.memref_slice %arg1[%add3A_4, %dma_wait3A_68] : memref<32768x1024xf32, #tpu.memory_space<hbm>> -> memref<1x1024xf32, #tpu.memory_space<hbm>>
    %dma_wait3A_70 = tpu.memref_squeeze %dma_wait3A_69 : memref<1x1024xf32, #tpu.memory_space<hbm>> -> memref<1024xf32, #tpu.memory_space<hbm>>
    tpu.wait_dma2 semaphore(%arg5 : memref<!tpu.dma_semaphore, #tpu.memory_space<semaphore_mem>>) src(%dma_wait3A_70 : memref<1024xf32, #tpu.memory_space<hbm>>) dst(%dma_wait3A_67 : memref<1024xf32, #tpu.memory_space<hbm>>)
    %dma_wait3A_71 = arith.constant 1 : i32
    %dma_wait3A_72 = arith.constant 0 : i32
    %dma_wait3A_73 = tpu.memref_slice %arg3[%dma_wait3A_71, %dma_wait3A_72] : memref<4x1024xf32, #tpu.memory_space<hbm>> -> memref<1x1024xf32, #tpu.memory_space<hbm>>
    %dma_wait3A_74 = tpu.memref_squeeze %dma_wait3A_73 : memref<1x1024xf32, #tpu.memory_space<hbm>> -> memref<1024xf32, #tpu.memory_space<hbm>>
    %dma_wait3A_75 = arith.constant 0 : i32
    %dma_wait3A_76 = tpu.memref_slice %arg1[%add3A_21, %dma_wait3A_75] : memref<32768x1024xf32, #tpu.memory_space<hbm>> -> memref<1x1024xf32, #tpu.memory_space<hbm>>
    %dma_wait3A_77 = tpu.memref_squeeze %dma_wait3A_76 : memref<1x1024xf32, #tpu.memory_space<hbm>> -> memref<1024xf32, #tpu.memory_space<hbm>>
    tpu.wait_dma2 semaphore(%arg5 : memref<!tpu.dma_semaphore, #tpu.memory_space<semaphore_mem>>) src(%dma_wait3A_77 : memref<1024xf32, #tpu.memory_space<hbm>>) dst(%dma_wait3A_74 : memref<1024xf32, #tpu.memory_space<hbm>>)
    %dma_wait3A_78 = arith.constant 2 : i32
    %dma_wait3A_79 = arith.constant 0 : i32
    %dma_wait3A_80 = tpu.memref_slice %arg3[%dma_wait3A_78, %dma_wait3A_79] : memref<4x1024xf32, #tpu.memory_space<hbm>> -> memref<1x1024xf32, #tpu.memory_space<hbm>>
    %dma_wait3A_81 = tpu.memref_squeeze %dma_wait3A_80 : memref<1x1024xf32, #tpu.memory_space<hbm>> -> memref<1024xf32, #tpu.memory_space<hbm>>
    %dma_wait3A_82 = arith.constant 0 : i32
    %dma_wait3A_83 = tpu.memref_slice %arg1[%add3A_39, %dma_wait3A_82] : memref<32768x1024xf32, #tpu.memory_space<hbm>> -> memref<1x1024xf32, #tpu.memory_space<hbm>>
    %dma_wait3A_84 = tpu.memref_squeeze %dma_wait3A_83 : memref<1x1024xf32, #tpu.memory_space<hbm>> -> memref<1024xf32, #tpu.memory_space<hbm>>
    tpu.wait_dma2 semaphore(%arg5 : memref<!tpu.dma_semaphore, #tpu.memory_space<semaphore_mem>>) src(%dma_wait3A_84 : memref<1024xf32, #tpu.memory_space<hbm>>) dst(%dma_wait3A_81 : memref<1024xf32, #tpu.memory_space<hbm>>)
    %dma_wait3A_85 = arith.constant 3 : i32
    %dma_wait3A_86 = arith.constant 0 : i32
    %dma_wait3A_87 = tpu.memref_slice %arg3[%dma_wait3A_85, %dma_wait3A_86] : memref<4x1024xf32, #tpu.memory_space<hbm>> -> memref<1x1024xf32, #tpu.memory_space<hbm>>
    %dma_wait3A_88 = tpu.memref_squeeze %dma_wait3A_87 : memref<1x1024xf32, #tpu.memory_space<hbm>> -> memref<1024xf32, #tpu.memory_space<hbm>>
    %dma_wait3A_89 = arith.constant 0 : i32
    %dma_wait3A_90 = tpu.memref_slice %arg1[%add3A_57, %dma_wait3A_89] : memref<32768x1024xf32, #tpu.memory_space<hbm>> -> memref<1x1024xf32, #tpu.memory_space<hbm>>
    %dma_wait3A_91 = tpu.memref_squeeze %dma_wait3A_90 : memref<1x1024xf32, #tpu.memory_space<hbm>> -> memref<1024xf32, #tpu.memory_space<hbm>>
    tpu.wait_dma2 semaphore(%arg5 : memref<!tpu.dma_semaphore, #tpu.memory_space<semaphore_mem>>) src(%dma_wait3A_91 : memref<1024xf32, #tpu.memory_space<hbm>>) dst(%dma_wait3A_88 : memref<1024xf32, #tpu.memory_space<hbm>>)
    return
  }
}

</mosaic_0001>

<sc_bundles>
// kernel: kernel.3.cloned.1.call-start
scs
__scs_entry_jumppad:
0x0: {  	(pc) =	sbr.rel $0x88, $3  }
0x1: {  	(tag) =	ssettag $0x0;
	lr =	simm.s32 $0x1  }
0x2: {  	[smem:$0x3F9F] =	sst lr;
	_ =	strace $0xD0000000  }
0x3: {  	_ = 	snop  }
0x4: {  	_ = 	snop  }
0x5: {  	_ = 	snop  }
0x6: {  	_ = 	snop  }
0x7: {  	_ = 	snop  }
__scs_overlays_trampoline_lowered:
0x8: {  	[smem:$0x3FAE] =	sst s0  }
0x9: {  	[smem:$0x3FAF] =	sst s1  }
0xa: {  	[smem:$0x3FB0] =	sst s2  }
0xb: {  	[smem:$0x3FB1] =	sst s3  }
0xc: {  	[smem:$0x3FB2] =	sst s4  }
0xd: {  	[smem:$0x3FB3] =	sst s5  }
0xe: {  	[smem:$0x3FB4] =	sst s6  }
0xf: {  	[smem:$0x3FB5] =	sst s7  }
0x10: {  	[smem:$0x3FB6] =	sst s8  }
0x11: {  	[smem:$0x3FB7] =	sst s9;
	s0 =	simm.s32 @!p0 $0x0  }
0x12: {  	s1 =	sld [smem:$0x3F9D];
	s0 =	simm.s32 @p0 $0x1  }
0x13: {  	[smem:$0x3FB8] =	sst s0;
	s0 =	simm.s32 @!p1 $0x0  }
0x14: {  	s2 =	sld [smem:$0x3F9C];
	s0 =	simm.s32 @p1 $0x1  }
0x15: {  	[smem:$0x3FB9] =	sst s0;
	s0 =	simm.s32 @!p2 $0x0  }
0x16: {  	s3 =	sld [smem:$0x3FDB];
	s0 =	simm.s32 @p2 $0x1  }
0x17: {  	s4 =	simm.s32 $0x1BF5;
	[smem:$0x3FBB] =	sst s0  }
0x18: {  	s0 =	sld [smem:$0x3F9E];
	_ =	swait.ge [sflag:s4], $0x0  }
0x19: {  	s7 =	sld [smem:$0x3F9F]  }
0x1a: {  	s8 =	sadd.s32 $0xFFFFE003, lr  }
0x1b: {  	s9 =	sadd.s32 $0xFFFFFEF7, lr;
	s5 =	simm.s32 $0xFFFFFFFF;
	p2 =	slt.u32 s8, $0xFFFFF086  }
0x1c: {  	p1 =	slt.u32 s9, $0xF7A;
	s5 =	simm.s32 @!p2 $0x0  }
0x1d: {  	s5 =	simm.s32 @p1 $0x1;
	p0 =	seq.s32 s7, s2  }
0x1e: {  	s7 =	smul.u32 @!p0 $0xF7A, s2;
	p2 =	seq.s32 @!p0 s5, $0x0  }
0x1f: {  	s9 =	smul.u32 $0xF7A, s1;
	s8 =	simm.s32 @!p0 $0x1BF5;
	p2 =	por !p2, p0  }
0x20: {  	[sflag:s8] =	ssyncset.s32 @!p0 $0xFFFFF086;
	s6 =	sadd.s32 @!p0 s3, s7;
	s7 =	simm.s32 @!p0 $0x108  }
0x21: {  	s3 =	sadd.s32 s3, s9;
	s6 =	sadd.s32 @!p0 $0x88, s6;
	s7 =	simm.s32 @p2 $0x1082  }
0x22: {  	[simem:s7], [sflag:s8] =	dma.local @!p0 [hbm:s6], $0xF7A  }
0x23: {  	s9 =	sor.u32 $0xD0000000, s2;
	s6 =	simm.s32 $0x108;
	_ =	swait.ge @!p0 [sflag:s8], $0x0  }
0x24: {  	s3 =	sadd.s32 $0x88, s3;
	s6 =	simm.s32 @!p1 $0x1082;
	[sflag:s4] =	ssyncset.s32 $0xFFFFF086  }
0x25: {  	[simem:s6], [sflag:s4] =	dma.local [hbm:s3], $0xF7A  }
0x26: {  	[smem:$0x3F9F] =	sst s1;
	(tag) =	ssettag s2;
	_ =	strace s9  }
0x27: {  	s1 =	sld [smem:$0x3FAF]  }
0x28: {  	s2 =	sld [smem:$0x3FB0]  }
0x29: {  	s4 =	sld [smem:$0x3FB2]  }
0x2a: {  	p0 =	seq.s32 s5, $0x0;
	s5 =	sld [smem:$0x3FB3]  }
0x2b: {  	s6 =	sld [smem:$0x3FB4]  }
0x2c: {  	s7 =	sld [smem:$0x3FB5]  }
0x2d: {  	s3 =	simm.s32 $0x108;
	s8 =	sld [smem:$0x3FB6]  }
0x2e: {  	s3 =	simm.s32 @!p0 $0x1082;
	s9 =	sld [smem:$0x3FB7]  }
0x2f: {  	lr =	sadd.s32 s0, s3;
	s0 =	sld [smem:$0x3FAE]  }
0x30: {  	s3 =	sld [smem:$0x3FB1]  }
0x31: {  	[smem:$0x3FBA] =	sst s10  }
0x32: {  	s10 =	sld [smem:$0x3FB8];
	_ =	sdelay $0x3  }
0x33: {  	p0 =	seq.s32 s10, $0x1;
	s10 =	sld [smem:$0x3FBA];
	_ =	sdelay $0x3  }
0x34: {  	[smem:$0x3FBA] =	sst s10  }
0x35: {  	s10 =	sld [smem:$0x3FB9];
	_ =	sdelay $0x3  }
0x36: {  	p1 =	seq.s32 s10, $0x1;
	s10 =	sld [smem:$0x3FBA];
	_ =	sdelay $0x3  }
0x37: {  	[smem:$0x3FBA] =	sst s10  }
0x38: {  	s10 =	sld [smem:$0x3FBB]  }
0x39: {  	_ = 	snop;
	(pc) =	sbr.ind lr, $3  }
0x3a: {  	_ = 	snop  }
0x3b: {  	_ = 	snop  }
0x3c: {  	p2 =	seq.s32 s10, $0x1;
	s10 =	sld [smem:$0x3FBA]  }
0x3d: {  	_ =	shalt  }
0x3e: {  	_ =	shalt  }
0x3f: {  	_ =	shalt  }
0x40: {  	_ =	shalt  }
0x41: {  	_ =	shalt  }
0x42: {  	_ =	shalt  }
0x43: {  	_ =	shalt  }
0x44: {  	_ =	shalt  }
0x45: {  	_ =	shalt  }
0x46: {  	_ =	shalt  }
0x47: {  	_ =	shalt  }
0x48: {  	_ =	shalt  }
0x49: {  	_ =	shalt  }
0x4a: {  	_ =	shalt  }
0x4b: {  	_ =	shalt  }
0x4c: {  	_ =	shalt  }
0x4d: {  	_ =	shalt  }
0x4e: {  	_ =	shalt  }
0x4f: {  	_ =	shalt  }
0x50: {  	_ =	shalt  }
0x51: {  	_ =	shalt  }
0x52: {  	_ =	shalt  }
0x53: {  	_ =	shalt  }
0x54: {  	_ =	shalt  }
0x55: {  	_ =	shalt  }
0x56: {  	_ =	shalt  }
0x57: {  	_ =	shalt  }
0x58: {  	_ =	shalt  }
0x59: {  	_ =	shalt  }
0x5a: {  	_ =	shalt  }
0x5b: {  	_ =	shalt  }
0x5c: {  	_ =	shalt  }
0x5d: {  	_ =	shalt  }
0x5e: {  	_ =	shalt  }
0x5f: {  	_ =	shalt  }
0x60: {  	_ =	shalt  }
0x61: {  	_ =	shalt  }
0x62: {  	_ =	shalt  }
0x63: {  	_ =	shalt  }
0x64: {  	_ =	shalt  }
0x65: {  	_ =	shalt  }
0x66: {  	_ =	shalt  }
0x67: {  	_ =	shalt  }
0x68: {  	_ =	shalt  }
0x69: {  	_ =	shalt  }
0x6a: {  	_ =	shalt  }
0x6b: {  	_ =	shalt  }
0x6c: {  	_ =	shalt  }
0x6d: {  	_ =	shalt  }
0x6e: {  	_ =	shalt  }
0x6f: {  	_ =	shalt  }
0x70: {  	_ =	shalt  }
0x71: {  	_ =	shalt  }
0x72: {  	_ =	shalt  }
0x73: {  	_ =	shalt  }
0x74: {  	_ =	shalt  }
0x75: {  	_ =	shalt  }
0x76: {  	_ =	shalt  }
0x77: {  	_ =	shalt  }
0x78: {  	_ =	shalt  }
0x79: {  	_ =	shalt  }
0x7a: {  	_ =	shalt  }
0x7b: {  	_ =	shalt  }
0x7c: {  	_ =	shalt  }
0x7d: {  	_ =	shalt  }
0x7e: {  	_ =	shalt  }
0x7f: {  	_ =	shalt  }
0x80: {  	_ =	shalt  }
0x81: {  	_ =	shalt  }
0x82: {  	_ =	shalt  }
0x83: {  	_ =	shalt  }
0x84: {  	_ =	shalt  }
0x85: {  	_ =	shalt  }
0x86: {  	_ =	shalt  }
0x87: {  	_ =	shalt  }
.Lfunc_end0:
.L_simem_size_0:
called_computation_lowered:
.L_overlay_start_0:
0x88: {  	s0 =	sld [smem:$0x3FD9]  }
0x89: {  	s1 =	sld [smem:$0x3FFE];
	_ =	sdelay $0x3  }
0x8a: {  	s0 =	sadd.s32 s1, s0  }
0x8b: {  	s3 =	simm.s32 $0x0;
	[smem:$0x3FC6] =	sst s0  }
0x8c: {  	[smem:$0xF] =	sst s3  }
0x8d: {  	s0 =	sld [smem:$0x3FC9]  }
0x8e: {  	s2 =	sld [smem:$0x3FC8]  }
0x8f: {  	s14 =	sld [smem:$0x3FD0];
	(tm) =	ssettm $0x1  }
0x90: {  	s15 =	sld [smem:$0x3FFB];
	_ =	sdelay $0x3  }
0x91: {  	_ =	strace s15  }
0x92: {  	s3 =	sld [smem:$0x3FFC];
	_ =	sdelay $0x3  }
0x93: {  	_ =	strace s3  }
0x94: {  	s3 =	sld [smem:$0x3FFD];
	_ =	sdelay $0x3  }
0x95: {  	_ =	strace s3  }
0x96: {  	s16 =	simm.s32 $0x1B8B;
	_ =	strace $0x8FFFFFFF  }
0x97: {  	_ =	swait.ge [sflag:s16], $0x1  }
0x98: {  	[sflag:s16] =	ssyncset.done $0x0  }
0x99: {  	s17 =	simm.s32 $0x1B8E;
	[sflag:s16] =	ssyncadd.s32 $0xFFFFFFFF  }
0x9a: {  	[smem:$0x3FD2] =	sst s17  }
0x9b: {  	s18 =	simm.s32 $0xA;
	s4 =	simm.s32 $0x10;
	_ =	strace $0x80000046  }
0x9c: {  	[smem:s4], [sflag:s18] =	dma.local [hbm:s2], $0x10  }
0x9d: {  	_ =	swait.ge [sflag:s18], $0x10  }
0x9e: {  	[sflag:s18] =	ssyncset.done $0x0  }
0x9f: {  	[sflag:s18] =	ssyncadd.s32 $0xFFFFFFF0  }
0xa0: {  	s19 =	sld [smem:$0x10];
	_ =	sdelay $0x3  }
0xa1: {  	p0 =	slt.s32 s19, $0x1;
	s2 =	sadd.s32 $0xFFFFFFFF, s19  }
0xa2: {  	s2 =	simm.s32 @p0 $0x1FFF  }
0xa3: {  	s20 =	sshll.u32 s2, $0xA;
	s2 =	sshll.u32 s2, $0x7  }
0xa4: {  	s3 =	sand.u32 $0xFFFFE000, s20;
	s2 =	sand.u32 $0x380, s2  }
0xa5: {  	s2 =	sor.u32 s2, s3  }
0xa6: {  	s21 =	simm.s32 $0x1;
	s22 =	simm.s32 $0x40;
	s2 =	sshrl.u32 s2, $0x3  }
0xa7: {  	s5 =	simm.s32 $0x80;
	s6 =	simm.s32 $0x9;
	s2 =	sadd.s32 s0, s2  }
0xa8: {  	[hbm:s14@s22], [sflag:s6] =	dma.strided [hbm:s2@s5], $0x80, s21, $0x10   }
0xa9: {  	s2 =	sld [smem:$0x11];
	_ =	sdelay $0x3  }
0xaa: {  	p0 =	slt.s32 s2, $0x1;
	s2 =	sadd.s32 $0x1FFF, s2  }
0xab: {  	s2 =	simm.s32 @p0 $0x3FFF  }
0xac: {  	s7 =	sshll.u32 s2, $0xA;
	s2 =	sshll.u32 s2, $0x7  }
0xad: {  	s7 =	sand.u32 $0xFFFFE000, s7;
	s2 =	sand.u32 $0x380, s2  }
0xae: {  	s2 =	sor.u32 s2, s7  }
0xaf: {  	s2 =	sshrl.u32 s2, $0x3  }
0xb0: {  	s23 =	sadd.s32 $0x10, s14;
	s2 =	sadd.s32 s0, s2  }
0xb1: {  	[hbm:s23@s22], [sflag:s6] =	dma.strided [hbm:s2@s5], $0x80, s21, $0x10   }
0xb2: {  	s2 =	sld [smem:$0x12];
	_ =	sdelay $0x3  }
0xb3: {  	p0 =	slt.s32 s2, $0x1;
	s2 =	sadd.s32 $0x3FFF, s2  }
0xb4: {  	s2 =	simm.s32 @p0 $0x5FFF  }
0xb5: {  	s24 =	sshll.u32 s2, $0xA;
	s2 =	sshll.u32 s2, $0x7  }
0xb6: {  	s7 =	sand.u32 $0xFFFFE000, s24;
	s2 =	sand.u32 $0x380, s2  }
0xb7: {  	s2 =	sor.u32 s2, s7  }
0xb8: {  	s2 =	sshrl.u32 s2, $0x3  }
0xb9: {  	s25 =	sadd.s32 $0x20, s14;
	s2 =	sadd.s32 s0, s2  }
0xba: {  	[hbm:s25@s22], [sflag:s6] =	dma.strided [hbm:s2@s5], $0x80, s21, $0x10   }
0xbb: {  	s2 =	sld [smem:$0x13];
	_ =	sdelay $0x3  }
0xbc: {  	p0 =	slt.s32 s2, $0x1;
	s2 =	sadd.s32 $0x5FFF, s2  }
0xbd: {  	s2 =	simm.s32 @p0 $0x7FFF  }
0xbe: {  	s26 =	sshll.u32 s2, $0xA;
	s2 =	sshll.u32 s2, $0x7  }
0xbf: {  	s7 =	sand.u32 $0xFFFFE000, s26;
	s2 =	sand.u32 $0x380, s2  }
0xc0: {  	s2 =	sor.u32 s2, s7  }
0xc1: {  	s2 =	sshrl.u32 s2, $0x3  }
0xc2: {  	s1 =	sadd.s32 $0x30, s14;
	s0 =	sadd.s32 s0, s2  }
0xc3: {  	[hbm:s1@s22], [sflag:s6] =	dma.strided [hbm:s0@s5], $0x80, s21, $0x10   }
0xc4: {  	_ =	swait.ge [sflag:s6], $0x80  }
0xc5: {  	[sflag:s6] =	ssyncset.done $0x0  }
0xc6: {  	[sflag:s6] =	ssyncadd.s32 $0xFFFFFF80;
	_ =	sdelay $0x2  }
0xc7: {  	_ =	swait.ge [sflag:s6], $0x80  }
0xc8: {  	[sflag:s6] =	ssyncset.done $0x0  }
0xc9: {  	[sflag:s6] =	ssyncadd.s32 $0xFFFFFF80;
	_ =	sdelay $0x2  }
0xca: {  	_ =	swait.ge [sflag:s6], $0x80  }
0xcb: {  	[sflag:s6] =	ssyncset.done $0x0  }
0xcc: {  	[sflag:s6] =	ssyncadd.s32 $0xFFFFFF80;
	_ =	sdelay $0x2  }
0xcd: {  	_ =	swait.ge [sflag:s6], $0x80  }
0xce: {  	[sflag:s6] =	ssyncset.done $0x0  }
0xcf: {  	[sflag:s6] =	ssyncadd.s32 $0xFFFFFF80  }
0xd0: {  	_ =	strace $0x90000046  }
0xd1: {  	_ =	sfence  }
0xd2: {  	s28 =	sld [smem:$0x0];
	_ =	sdelay $0x1  }
0xd3: {  	s29 =	srdreg.scid  }
0xd4: {  	s30 =	sshll.u32 s29, $0xD;
	s31 =	sshrl.u32 s29, $0x2  }
0xd5: {  	s2 =	sand.u32 $0x4000, s30;
	s1 =	sand.u32 $0x1, s29;
	s0 =	sadd.s32 s31, s28  }
0xd6: {  	s1 =	sor.u32 s2, s1;
	s0 =	sshll.u32 s0, $0x11  }
0xd7: {  	s0 =	sor.u32 s0, s1  }
0xd8: {  	s0 =	sadd.s32 $0x8F2B, s0;
	(pc) =	sbr.abs _section_cstart, $3  }
0xd9: {  	[sflag:s0] =	ssyncadd.remote.s32 $0x1  }
0xda: {  	_ =	strace $0x9FFFFFFF  }
0xdb: {  	(tm) =	ssettm $0x7FFFFFFF  }

</sc_bundles>
